<compile_context>
chip_gen: v7x
topology: tpu7x:2x2x1
jax: 0.10.2.dev20260603
libtpu: 0.0.44.dev20260713+nightly
codegen_flags: <defaults>
</compile_context>

<pallas_src>
import jax
from jax.experimental import pallas as pl
from jax.experimental.pallas import tpu as pltpu

_ROWS = 28224
_LANES = 1024
_GRID = 14
_BLOCK_ROWS = _ROWS // _GRID


def _copy_body(src_ref, dst_ref):
    dst_ref[...] = src_ref[...]


def kernel(data):
    flat = data.reshape(_ROWS, _LANES)
    out = pl.pallas_call(
        _copy_body,
        grid=(_GRID,),
        in_specs=[pl.BlockSpec((_BLOCK_ROWS, _LANES), lambda i: (i, 0))],
        out_specs=pl.BlockSpec((_BLOCK_ROWS, _LANES), lambda i: (i, 0)),
        out_shape=jax.ShapeDtypeStruct((_ROWS, _LANES), data.dtype),
    )(flat)
    return out.reshape(data.shape)

# --- scband reference (transcript-rebuilt; emitter-appended) ---
"""Pipeline reference for scband-pruning-cell-73177652789357 (READ-ONLY COPY).

The authoritative reference and input builder live on the scoring server;
editing this copy changes nothing except your own understanding.
"""

import jax, jax.numpy as jnp
import numpy as np


def setup_inputs(seed: int = 0) -> dict:
    key = jax.random.key(seed)
    data = jax.random.normal(key, (6, 16, 384, 28, 28), dtype=jnp.float32)
    return {"data": data}


def reference(data):
    # PruningCell with attention_flag='no', fbs=False:
    #   output = data
    #   data = output.permute(1, 0, 2, 3, 4)   # (t,b,c,h,w) -> (b,t,c,h,w)
    #   ... no masking branch taken ...
    #   data = data.permute(1, 0, 2, 3, 4)     # (b,t,c,h,w) -> (t,b,c,h,w)
    #   return data
    out = jnp.transpose(data, (1, 0, 2, 3, 4))
    out = jnp.transpose(out, (1, 0, 2, 3, 4))
    return out

if __name__ == "__main__":
    import jax
    _d = setup_inputs()
    print(jax.jit(kernel)(*tuple(_d.values())))

</pallas_src>

<mosaic_0001>
module attributes {stable_mosaic.version = 14 : i64} {
  func.func @_copy_body(%arg0: i32, %arg1: memref<2016x1024xf32, #tpu.memory_space<vmem>>, %arg2: memref<2016x1024xf32, #tpu.memory_space<vmem>>) attributes {dimension_semantics = [#tpu.dimension_semantics<arbitrary>], iteration_bounds = array<i64: 14>, scalar_prefetch = 0 : i64, scratch_operands = 0 : i64, tpu.core_type = #tpu.core_type<tc>, window_params = [{transform_indices = @transform_0, window_bounds = array<i64: 2016, 1024>}, {transform_indices = @transform_1, window_bounds = array<i64: 2016, 1024>}]} {
    %get3A = arith.constant 0 : index
    %get3A_0 = arith.constant 0 : index
    %get3A_1 = vector.load %arg1[%get3A, %get3A_0] : memref<2016x1024xf32, #tpu.memory_space<vmem>>, vector<2016x1024xf32>
    %swap3A = arith.constant 0 : index
    %swap3A_2 = arith.constant 0 : index
    %swap3A_3 = vector.load %arg2[%swap3A, %swap3A_2] : memref<2016x1024xf32, #tpu.memory_space<vmem>>, vector<2016x1024xf32>
    tpu.vector_store %arg2[%swap3A, %swap3A_2], %get3A_1 {strides = array<i32>} : memref<2016x1024xf32, #tpu.memory_space<vmem>>, vector<2016x1024xf32>,
    return
  }
  func.func @transform_0(%arg0: i32) -> (i32, i32) {
    %c0_i32 = arith.constant 0 : i32
    %c0_i32_0 = arith.constant 0 : i32
    return %arg0, %c0_i32 : i32, i32
  }
  func.func @transform_1(%arg0: i32) -> (i32, i32) {
    %c0_i32 = arith.constant 0 : i32
    %c0_i32_0 = arith.constant 0 : i32
    return %arg0, %c0_i32 : i32, i32
  }
}

</mosaic_0001>

<sc_bundles>
// kernel: sparse-core-data-format-call.cloned.1.call-start
scs
called_computation_lowered:
.L_overlay_start_0:
0x0: {  	s2 =	sld [smem:$0x3FD9]  }
0x1: {  	s3 =	sld [smem:$0x3FFE];
	_ =	sdelay $0x1  }
0x2: {  	s1 =	srdreg.scid  }
0x3: {  	s0 =	sand.u32 $0x1, s1  }
0x4: {  	s18 =	sshll.u32 s0, $0xA;
	s2 =	sadd.s32 s3, s2  }
0x5: {  	s2 =	sadd.s32 s2, s18  }
0x6: {  	[smem:$0x3FC7] =	sst s2  }
0x7: {  	_ = 	snop  }
0x8: {  	s2 =	sld [smem:$0x3FD0];
	(tm) =	ssettm $0x1  }
0x9: {  	s19 =	sld [smem:$0x3FFB];
	_ =	sdelay $0x3  }
0xa: {  	_ =	strace s19  }
0xb: {  	s3 =	sld [smem:$0x3FFC];
	_ =	sdelay $0x3  }
0xc: {  	_ =	strace s3  }
0xd: {  	s3 =	sld [smem:$0x3FFD];
	_ =	sdelay $0x3  }
0xe: {  	_ =	strace s3  }
0xf: {  	_ =	strace $0x8FFFFFFF  }
0x10: {  	s20 =	sld [smem:$0x3FDB];
	_ =	sdelay $0x1  }
0x11: {  	s4 =	simm.s32 $_scs_section_size  }
0x12: {  	s5 =	simm.s32 $_size__tile_overlayer_lowered;
	s6 =	simm.s32 $_tile_overlayer_lowered  }
0x13: {  	s23 =	simm.s32 $0x1BFF;
	s22 =	sshll.u32 s6, $0x1;
	s3 =	sadd.s32 s4, s20  }
0x14: {  	s7 =	simm.s32 $0x0;
	s21 =	sshll.u32 s5, $0x1;
	s5 =	sadd.s32 s22, s3  }
0x15: {  	[timem:s7], [sflag:s23] =	dma.local [hbm:s5], s21  }
0x16: {  	_ =	swait.ge [sflag:s23], s21  }
0x17: {  	s4 =	ssub.s32 $0x0, s21;
	[sflag:s23] =	ssyncset.done $0x0  }
0x18: {  	[sflag:s23] =	ssyncadd.s32 s4;
	_ =	sdelay $0x1  }
0x19: {  	s24 =	simm.s32 $0x1B8B  }
0x1a: {  	_ =	swait.ge [sflag:s24], $0x1  }
0x1b: {  	[sflag:s24] =	ssyncset.done $0x0  }
0x1c: {  	s26 =	simm.s32 $0x1B8E;
	s25 =	sld [smem:$0x3FFE];
	[sflag:s24] =	ssyncadd.s32 $0xFFFFFFFF  }
0x1d: {  	s27 =	simm.s32 $execute0_lowered;
	[smem:$0x3FD2] =	sst s26  }
0x1e: {  	s5 =	sshll.u32 s27, $0x1;
	_ =	strace $0x80000046;
	[dreg:$0x1] =	wrdreg $0xFFFFFFFF  }
0x1f: {  	s28 =	simm.s32 $_size_execute0_lowered;
	s3 =	sadd.s32 s3, s5;
	[dreg:$0x0] =	wrdreg $0x0  }
0x20: {  	s5 =	sshll.u32 s28, $0x1;
	[dreg:$0x2] =	wrdreg s3  }
0x21: {  	[dreg:$0x3] =	wrdreg s5  }
0x22: {  	[dreg:$0x4] =	wrdreg $0xC0  }
0x23: {  	_ =	task [dreg:s7], $0x5FFFF  }
0x24: {  	[dreg:$0x1] =	wrdreg $0xFFFFFFFF  }
0x25: {  	[dreg:$0x0] =	wrdreg $0x60  }
0x26: {  	[dreg:$0x2] =	wrdreg s25  }
0x27: {  	[dreg:$0x3] =	wrdreg s2  }
0x28: {  	[dreg:$0x4] =	wrdreg $0x9  }
0x29: {  	_ =	task.clear_ibuf [dreg:s7], $0x5FFFF;
	_ =	strace $0x90000046  }
0x2a: {  	s29 =	simm.s32 $0x9;
	_ =	strace $0x80000048  }
0x2b: {  	_ =	swait.ge [sflag:s29], $0x1  }
0x2c: {  	[sflag:s29] =	ssyncadd.s32 $0xFFFFFFFF  }
0x2d: {  	_ =	strace $0x90000048  }
0x2e: {  	_ =	sfence  }
0x2f: {  	s30 =	sld [smem:$0x0];
	_ =	sdelay $0x2  }
0x30: {  	s31 =	sshll.u32 s1, $0xD;
	s1 =	sshrl.u32 s1, $0x2  }
0x31: {  	s3 =	sand.u32 $0x4000, s31;
	s1 =	sadd.s32 s1, s30  }
0x32: {  	s0 =	sor.u32 s3, s0;
	s1 =	sshll.u32 s1, $0x11  }
0x33: {  	s0 =	sor.u32 s1, s0  }
0x34: {  	s0 =	sadd.s32 $0x8F2B, s0  }
0x35: {  	[sflag:s0] =	ssyncadd.remote.s32 $0x1  }
0x36: {  	_ =	sfence.sel $0xFFFF  }
0x37: {  	[dreg:$0x0] =	wrdreg $0xFFFFFFFF;
	(pc) =	sbr.abs _section_cstart, $3  }
0x38: {  	[dreg:$0x1] =	wrdreg $0xFFFFFFFF  }
0x39: {  	_ =	task.clear_ibuf [dreg:s7], $0x2FFFF;
	_ =	strace $0x9FFFFFFF  }
0x3a: {  	(tm) =	ssettm $0x7FFFFFFF  }
0x3b: {  	_ =	shalt  }
tec
execute0_lowered:
.L_overlay_start_1:
0x0: {  	(tag) =	ssettag $0x1  }
0x1: {  	s0 =	stileid.u32  }
0x2: {  	s1 =	srdreg.scid;
	s10 =	rddreg [dreg:$0x0];
	_ =	strace $0x80000047  }
0x3: {  	s8 =	simm.s32 $0x2;
	s23 =	simm.s32 $0x0;
	s12 =	simm.s32 $0x1800  }
0x4: {  	s22 =	simm.s32 $0x0;
	s24 =	simm.s32 $0x0;
	s2 =	sshll.u32 s0, $0x2  }
0x5: {  	s25 =	simm.s32 $0x0;
	s3 =	sshll.u32 s1, $0x4;
	s1 =	sand.u32 $0xC, s2  }
0x6: {  	s13 =	simm.s32 $0x0;
	s29 =	sand.u32 $0x10, s3;
	s4 =	ssub.s32 $0x10, s1  }
0x7: {  	s14 =	simm.s32 $0x0;
	s2 =	sor.u32 s0, s29;
	s5 =	sand.u32 $0xC, s4  }
0x8: {  	s3 =	sshrl.u32 s2, $0x2;
	s2 =	simm.s32 $0x1;
	p0 =	sne.s32 s5, $0x0  }
0x9: {  	s30 =	sshrl.u32 s4, $0x4;
	s6 =	ssub.s32 $0x23, s3;
	s2 =	simm.s32 @!p0 $0x0  }
0xa: {  	s15 =	simm.s32 $0x0;
	s31 =	sshrl.u32 s6, $0x3;
	s2 =	sadd.s32 s2, s30  }
0xb: {  	s16 =	simm.s32 $0x0;
	s18 =	simm.s32 $0x0;
	s2 =	smul.u32 s31, s2  }
.Ltmp0:
0xc: {  	s20 =	simm.s32 $0x0;
	s21 =	simm.s32 $0x0;
	(pc) =	sbr.rel .LBB1_1-.Ltmp0, $4  }
0xd: {  	s9 =	sadd.s32 $0x3D2400, s10;
	s19 =	smov.u32 s1;
	s6 =	simm.s32 $0x1  }
0xe: {  	s5 =	sadd.s32 $0x372400, s10;
	[sflag:s6] =	ssyncpa.u1 $0x0;
	s7 =	smul.u32 $0x12, s2  }
0xf: {  	s17 =	smov.u32 s3;
	p0 =	por $0x0, $0x0;
	[sflag:s8] =	ssyncpa.u1 $0x0  }
0x10: {  	s8 =	sadd.s32 $0x3A2400, s10;
	s10 =	sadd.s32 $0x402400, s10;
	s11 =	sor.u32 $0x1, s7  }
.LBB1_7:
0x11: {  	p1 =	slt.u32 s21, $0x2  }
0x12: {  	s0 =	smov.u32 s25;
	p2 =	sgt.s32 @!p1 s25, $0x5  }
0x13: {  	s2 =	sshra.s32 @!p1 s25, $0x1F;
	p3 =	sgt.s32 @!p1 s23, $0x1B;
	p2 =	por !p2, p1  }
0x14: {  	p4 =	sgt.s32 @!p1 s24, $0xC;
	s2 =	sand.u32 @!p1 s2, s25;
	s0 =	simm.s32 @p2 $0x5  }
0x15: {  	s4 =	sshra.s32 @!p1 s23, $0x1F;
	p4 =	por !p4, p1;
	s0 =	ssub.s32 @!p1 s0, s2  }
0x16: {  	p3 =	por !p3, p1;
	s4 =	sand.u32 @!p1 s4, s23;
	s2 =	sadd.s32 @!p1 $0xFFFFFFFB, s0  }
0x17: {  	s23 =	simm.s32 @p3 $0x1B;
	p2 =	sgt.s32 @!p1 s2, $0x0;
	s2 =	sshra.s32 @!p1 s24, $0x1F  }
0x18: {  	p3 =	sgt.s32 @!p1 s22, $0x100;
	s2 =	sand.u32 @!p1 s2, s24;
	s24 =	simm.s32 @p4 $0xC  }
0x19: {  	s4 =	ssub.s32 @!p1 s23, s4;
	s0 =	ssub.s32 @!p1 $0x6, s0;
	s2 =	ssub.s32 @!p1 s24, s2  }
0x1a: {  	p3 =	por !p3, p1;
	s0 =	smul.u32 @!p1 $0x1C, s0;
	s23 =	sadd.s32 @!p1 $0xFFFFFFF4, s2  }
0x1b: {  	s24 =	sshra.s32 @!p1 s22, $0x1F;
	p4 =	sgt.s32 @!p1 s23, $0x3;
	s23 =	smov.u32 s22  }
0x1c: {  	p2 =	por !p2, p1;
	s22 =	sand.u32 @!p1 s24, s22;
	s23 =	simm.s32 @p3 $0x100  }
0x1d: {  	s26 =	smov.u32 s18;
	s0 =	simm.s32 @!p2 $0x0;
	s22 =	ssub.s32 @!p1 s23, s22  }
0x1e: {  	s2 =	ssub.s32 @!p1 $0x10, s2;
	p3 =	por !p4, p1;
	s23 =	sadd.s32 @!p1 $0xFFFFFF00, s22  }
0x1f: {  	s24 =	sadd.s32 @!p1 $0xFFFFFFE5, s4;
	s2 =	simm.s32 @!p3 $0x0;
	p3 =	sgt.s32 @!p1 s23, $0x7F  }
0x20: {  	s22 =	ssub.s32 @!p1 $0x180, s22;
	s0 =	smul.u32 @!p1 s2, s0;
	p2 =	por !p3, p1  }
0x21: {  	s2 =	ssub.s32 @!p1 $0x1C, s4;
	p3 =	sgt.s32 @!p1 s24, $0x0;
	s22 =	simm.s32 @!p2 $0x0  }
0x22: {  	s4 =	sadd.s32 $0x8, s17;
	p2 =	por !p3, p1;
	s0 =	smul.u32 @!p1 s22, s0  }
0x23: {  	s2 =	simm.s32 @!p2 $0x0;
	p2 =	sgt.s32 s4, $0x1B;
	s22 =	sadd.s32 $0x80, s18  }
0x24: {  	s27 =	smov.u32 s19;
	s26 =	smov.u32 @p2 s22  }
0x25: {  	s0 =	smul.u32 @!p1 s2, s0;
	p3 =	sgt.s32 s26, $0x17F;
	s2 =	sadd.s32 $0x10, s19  }
0x26: {  	p0 =	por !p0, !p0;
	s27 =	smov.u32 @p3 s2  }
0x27: {  	s25 =	smov.u32 s16;
	s22 =	simm.s32 $0x1;
	p4 =	sgt.s32 s27, $0xF  }
0x28: {  	s16 =	smov.u32 s20;
	s23 =	smov.u32 s13;
	s22 =	simm.s32 @!p4 $0x0  }
0x29: {  	s13 =	smov.u32 s17;
	s24 =	smov.u32 s15;
	s28 =	sadd.s32 s22, s20  }
0x2a: {  	s15 =	smov.u32 s19;
	s4 =	smov.u32 @p2 s3;
	p2 =	sgt.s32 s28, $0x5  }
0x2b: {  	s17 =	smov.u32 s4;
	s28 =	simm.s32 @p2 $0x0;
	p2 =	sne.s32 s21, s11  }
.Ltmp1:
0x2c: {  	s2 =	simm.s32 @!p1 $0x2;
	s0 =	sand.u32 @!p1 $0x3FFFFFFC, s0;
	(pc) =	sbr.rel @!p2 .LBB1_8-.Ltmp1, $4  }
0x2d: {  	s26 =	simm.s32 @p3 $0x0;
	_ =	swait.ge @!p1 [sflag:s2], s0;
	s0 =	ssub.s32 @!p1 $0x0, s0  }
0x2e: {  	s27 =	smov.u32 @p4 s1;
	[sflag:s2] =	ssyncset.done @!p1 $0x0;
	s22 =	smov.u32 s14  }
0x2f: {  	s14 =	smov.u32 s18;
	s18 =	smov.u32 s26;
	s19 =	smov.u32 s27  }
0x30: {  	[sflag:s2] =	ssyncadd.s32 @!p1 s0;
	s21 =	sadd.s32 $0x1, s21;
	s20 =	smov.u32 s28  }
.LBB1_1:
0x31: {  	p1 =	sge.u32 s21, s7  }
0x32: {  	s2 =	smul.u32 @!p1 $0x300000, s20  }
0x33: {  	s26 =	smul.u32 @!p1 $0x30000, s19;
	_ =	sdelay $0x1  }
0x34: {  	s27 =	sxor.u32 @!p1 $0xFFFFFFFF, s21;
	s29 =	sshll.u32 @!p1 s18, $0x9;
	s28 =	sadd.s32 @!p1 s2, s26  }
0x35: {  	s30 =	sshll.u32 @!p1 s17, $0x4;
	s31 =	simm.s32 @!p1 $0x20;
	s28 =	sadd.s32 @!p1 s5, s28  }
0x36: {  	s27 =	sshll.u32 @!p1 s27, $0xE;
	s30 =	sand.u32 @!p1 $0x1F0, s30;
	s28 =	sadd.s32 @!p1 s29, s28  }
0x37: {  	s0 =	simm.s32 @!p1 $0x1000;
	s27 =	sand.u32 @!p1 $0x4000, s27;
	s28 =	sadd.s32 @!p1 s30, s28  }
0x38: {  	[tilespmem:s27], [sflag:$0x1] =	stream.strided.gather @!p1 [hbm4b:s28+s31], $0x1000, s0, s31, $0x38;
	[tilespmem:$0x10100] =	vst v63  }
0x39: {  	s28 =	sadd.s32 @!p1 s2, s8  }
0x3a: {  	s28 =	sadd.s32 @!p1 s26, s28  }
0x3b: {  	s28 =	sadd.s32 @!p1 s29, s28  }
0x3c: {  	s4 =	sor.u32 @!p1 $0x1000, s27;
	s28 =	sadd.s32 @!p1 s30, s28  }
0x3d: {  	[tilespmem:s4], [sflag:$0x1] =	stream.strided.gather @!p1 [hbm4b:s28+s31], $0x1000, s0, s31, $0x38;
	[tilespmem:$0x10100] =	vst v63  }
0x3e: {  	s4 =	sadd.s32 @!p1 s2, s9  }
0x3f: {  	s2 =	sadd.s32 @!p1 s2, s10;
	s4 =	sadd.s32 @!p1 s26, s4  }
0x40: {  	s2 =	sadd.s32 @!p1 s26, s2;
	s4 =	sadd.s32 @!p1 s29, s4  }
0x41: {  	s28 =	sor.u32 @!p1 $0x2000, s27;
	s2 =	sadd.s32 @!p1 s29, s2;
	s4 =	sadd.s32 @!p1 s30, s4  }
0x42: {  	[tilespmem:s28], [sflag:$0x1] =	stream.strided.gather @!p1 [hbm4b:s4+s31], $0x1000, s0, s31, $0x38;
	[tilespmem:$0x10100] =	vst v63  }
0x43: {  	s2 =	sadd.s32 @!p1 s30, s2;
	s4 =	sor.u32 @!p1 $0x3000, s27  }
0x44: {  	[tilespmem:s4], [sflag:$0x1] =	stream.strided.gather @!p1 [hbm4b:s2+s31], $0x1000, s0, s31, $0x38;
	[tilespmem:$0x10100] =	vst v63  }
0x45: {  	s31 =	sadd.s32 $0xFFFFFFFF, s21  }
0x46: {  	p1 =	sge.u32 s31, s7  }
.Ltmp2:
0x47: {  	_ = 	snop;
	(pc) =	sbr.rel @p1 .LBB1_7-.Ltmp2, $1  }
0x48: {  	_ =	sdelay $0x3  }
0x49: {  	s0 =	simm.s32 $0x1;
	s4 =	sand.u32 $0x1, s21  }
0x4a: {  	s0 =	simm.s32 @!p0 $0x0;
	s4 =	smul.u32 $0x10200, s4  }
0x4b: {  	_ =	swait.ge [sflag:s6], $0x4000;
	s2 =	smul.u32 $0x10200, s0  }
0x4c: {  	s29 =	simm.s32 $0x0;
	[sflag:s6] =	ssyncset.done $0x0;
	s0 =	sshll.u32 s0, $0xE  }
0x4d: {  	[sflag:s6] =	ssyncadd.s32 $0xFFFFC000;
	s31 =	sshrl.u32 s4, $0x2;
	s2 =	sshrl.u32 s2, $0x2  }
0x4e: {  	s28 =	sor.u32 $0x10, s0;
	s26 =	sor.u32 $0x8000, s31;
	s27 =	sor.u32 $0x8000, s2  }
.LBB1_3:
0x4f: {  	v1 =	vld [tilespmem:s28+$0x0]  }
0x50: {  	v0 =	vld [tilespmem:s28+$0xFFFFFFF0];
	_ =	sdelay $0x2  }
0x51: {  	s2 =	sadd.s32 $0x0, s27  }
0x52: {  	s30 =	simm.s32 $0x4;
	s31 =	sadd.s32 $0x20, s28;
	[tilespmem:s2+$0x2040 ss:$0x204] =	vst.msk $0xffff, v1  }
.LBB1_4:
0x53: {  	v1 =	vld [tilespmem:s31+$0x0];
	p1 =	sne.s32 s30, $0x1FC;
	[tilespmem:s2+$0x0 ss:$0x204] =	vst.msk $0xffff, v0;
	s0 =	smov.u32 s30;
	s30 =	sadd.s32 $0x4, s30  }
.Ltmp3:
0x54: {  	v0 =	vld [tilespmem:s31+$0xFFFFFFF0];
	(pc) =	sbr.rel @p1 .LBB1_4-.Ltmp3, $4  }
0x55: {  	_ = 	snop  }
0x56: {  	s0 =	sshra.s32 s0, $0x2  }
0x57: {  	s2 =	sadd.s32 s0, s27  }
0x58: {  	s31 =	sadd.s32 $0x20, s31;
	[tilespmem:s2+$0x2040 ss:$0x204] =	vst.msk $0xffff, v1  }
0x59: {  	s29 =	sadd.s32 $0x1, s29  }
0x5a: {  	p1 =	sne.s32 s29, $0x4  }
.Ltmp4:
0x5b: {  	_ = 	snop;
	(pc) =	sbr.rel @p1 .LBB1_3-.Ltmp4, $2  }
0x5c: {  	_ =	sdelay $0x2  }
0x5d: {  	[tilespmem:s2+$0x0 ss:$0x204] =	vst.msk $0xffff, v0;
	s27 =	sadd.s32 $0x81, s27;
	s28 =	sadd.s32 $0x1000, s28  }
0x5e: {  	s0 =	sshrl.u32 s15, $0x3  }
0x5f: {  	s2 =	sshll.u32 s14, $0x3;
	s0 =	smul.u32 $0xC00, s0  }
0x60: {  	s4 =	sshll.u32 s15, $0x7;
	s2 =	sand.u32 $0xFFFFFC00, s2  }
0x61: {  	s29 =	sand.u32 $0x380, s4;
	s0 =	sadd.s32 s0, s2  }
0x62: {  	s30 =	sand.u32 $0x7F, s14;
	p1 =	sgt.s32 s16, $0x5;
	s0 =	sor.u32 s29, s0  }
0x63: {  	s27 =	smov.u32 s16;
	s28 =	sshra.s32 s16, $0x1F;
	s2 =	sor.u32 s30, s0  }
0x64: {  	p2 =	sgt.s32 s14, $0x100;
	s31 =	sshra.s32 s14, $0x1F;
	s4 =	smulhi.u32 $0xAAAAAAAB, s2  }
0x65: {  	s27 =	simm.s32 @!p1 $0x5;
	p1 =	sgt.s32 s15, $0xC;
	s0 =	smulhi.u32 $0xAAAAAAAB, s0  }
0x66: {  	s28 =	sand.u32 s28, s16;
	s29 =	smov.u32 s15;
	s4 =	sshrl.u32 s4, $0x8  }
0x67: {  	s30 =	sshra.s32 s15, $0x1F;
	s0 =	sshrl.u32 s0, $0x8;
	s4 =	smul.u32 $0x180, s4  }
0x68: {  	s29 =	simm.s32 @!p1 $0xC;
	s30 =	sand.u32 s30, s15;
	s0 =	sand.u32 $0xF, s0  }
0x69: {  	s0 =	smul.u32 $0x30, s0;
	s2 =	ssub.s32 s2, s4;
	s4 =	ssub.s32 s27, s28  }
0x6a: {  	s27 =	ssub.s32 s29, s30;
	s30 =	sand.u32 s31, s14;
	s31 =	sshra.s32 s13, $0x1F  }
0x6b: {  	s28 =	sadd.s32 $0xFFFFFFFB, s4;
	s29 =	sadd.s32 $0xFFFFFFF4, s27;
	s4 =	ssub.s32 $0x6, s4  }
0x6c: {  	s27 =	ssub.s32 $0x10, s27;
	p1 =	sgt.s32 s29, $0x3;
	s29 =	smov.u32 s14  }
0x6d: {  	s4 =	smul.u32 $0x1C, s4;
	s29 =	simm.s32 @!p2 $0x100;
	p2 =	sgt.s32 s28, $0x0  }
0x6e: {  	s27 =	simm.s32 @p1 $0x0;
	p1 =	sgt.s32 s13, $0x1B;
	s29 =	ssub.s32 s29, s30  }
0x6f: {  	s28 =	smov.u32 s13;
	s4 =	simm.s32 @p2 $0x0;
	s30 =	sadd.s32 $0xFFFFFF00, s29  }
0x70: {  	s29 =	ssub.s32 $0x180, s29;
	s4 =	smul.u32 s27, s4;
	p2 =	sgt.s32 s30, $0x7F  }
0x71: {  	s28 =	simm.s32 @!p1 $0x1B;
	s30 =	sand.u32 s31, s13;
	s29 =	simm.s32 @p2 $0x0  }
0x72: {  	s27 =	ssub.s32 s28, s30;
	s4 =	smul.u32 s29, s4  }
0x73: {  	s31 =	rddreg [dreg:$0x1];
	s28 =	sadd.s32 $0xFFFFFFE5, s27;
	s29 =	smul.u32 $0x93000, s16  }
0x74: {  	s27 =	ssub.s32 $0x1C, s27;
	p1 =	sgt.s32 s28, $0x0;
	s28 =	smul.u32 $0x5400, s13  }
.Ltmp5:
0x75: {  	s27 =	simm.s32 @p1 $0x0;
	s29 =	sadd.s32 s31, s29;
	(pc) =	sbr.rel .LBB1_7-.Ltmp5, $4  }
0x76: {  	s4 =	smul.u32 s27, s4;
	s31 =	sadd.s32 s28, s29;
	s29 =	sand.u32 $0x7, s2  }
0x77: {  	s2 =	sshrl.u32 s2, $0x3;
	s0 =	sadd.s32 s0, s31;
	s30 =	sshll.u32 s29, $0x12  }
0x78: {  	s4 =	sand.u32 $0x3FFFFFFC, s4;
	s0 =	sadd.s32 s2, s0;
	s31 =	sor.u32 $0x200, s30  }
0x79: {  	[hbm4b:s0+s31] =	stream.strided.scatter [tilespmem:s26], [sflag:$0x2], s4, s12, s31, $0x20;
	[tilespmem:$0x10100] =	vst v63  }
.LBB1_8:
0x7a: {  	_ =	sfence.sel $0x180000  }
0x7b: {  	s0 =	simm.s32 $0x1;
	[bflag:$0x0] =	sbarrier.arrive $0xFFFF  }
0x7c: {  	s30 =	simm.s32 $0x2;
	[sflag:s0] =	ssyncpa.u1 $0x1  }
0x7d: {  	[sflag:s30] =	ssyncpa.u1 $0x1  }
0x7e: {  	_ =	strace $0x90000047  }
0x7f: {  	s31 =	stileid.u32;
	[bflag:$0x2] =	sbarrier.arrive $0xFFFF  }
0x80: {  	p0 =	sne.s32 s31, $0x0;
	s0 =	rddreg [dreg:$0x2]  }
0x81: {  	s0 =	sadd.s32 @!p0 $0x100000, s0  }
0x82: {  	[sflag:s0] =	ssyncadd.tile.s32 @!p0 $0x1;
	_ =	shalt  }
.Lfunc_end1:
_tile_overlayer_lowered:
.L_overlay_start_2:
0x83: {  	(tag) =	ssettag $0x2  }
0x84: {  	s0 =	rddreg [dreg:$0x0];
	s2 =	stileid.u32  }
0x85: {  	s1 =	rddreg [dreg:$0x1];
	p0 =	sne.s32 s2, $0x0  }
0x86: {  	s3 =	rddreg [dreg:$0x2];
	[bflag:$0x3] =	sbarrier.arrive $0xFFFF;
	s2 =	simm.s32 @!p0 $0x1C01  }
0x87: {  	[timem:s3], [sflag:s2] =	dma.local @!p0 [hbm:s0], s1  }
0x88: {  	s0 =	simm.s32 @!p0 $0x1  }
0x89: {  	_ =	swait.ge @!p0 [sflag:s0], s1  }
0x8a: {  	s1 =	ssub.s32 @!p0 $0x0, s1;
	[sflag:s0] =	ssyncset.done @!p0 $0x0  }
0x8b: {  	[sflag:s0] =	ssyncadd.s32 @!p0 s1  }
0x8c: {  	[bflag:$0x3] =	sbarrier.arrive $0xFFFF  }
0x8d: {  	_ =	shalt  }

</sc_bundles>
